<compile_context>
chip_gen: v7x
topology: tpu7x:2x2x1
jax: 0.10.2.dev20260603
libtpu: 0.0.44.dev20260713+nightly
codegen_flags: <defaults>
</compile_context>

<pallas_src>
import jax
import jax.numpy as jnp
from jax import lax
from jax.experimental import pallas as pl
from jax.experimental.pallas import tpu as pltpu
from jax.experimental.pallas import tpu_sc as plsc

_LANES = 16
_UNROLL = 16


def kernel(indices, E):
    B, H = indices.shape
    V, D = E.shape
    E_T = E.T
    idx_T = indices.T

    mesh = plsc.VectorSubcoreMesh(core_axis_name="core",
                                  subcore_axis_name="subcore")
    n_sub = 32
    d_per = D // n_sub

    @pl.kernel(
        out_type=jax.ShapeDtypeStruct((H, D, B), E.dtype),
        mesh=mesh,
        scratch_types=[
            pltpu.VMEM((V,), E.dtype),
            pltpu.VMEM((B,), indices.dtype),
            pltpu.VMEM((B,), indices.dtype),
            pltpu.VMEM((B,), E.dtype),
            pltpu.VMEM((B,), E.dtype),
            pltpu.SemaphoreType.DMA,
            pltpu.SemaphoreType.DMA,
            pltpu.SemaphoreType.DMA,
            pltpu.SemaphoreType.DMA,
            pltpu.SemaphoreType.DMA,
        ],
        compiler_params=pltpu.CompilerParams(use_tc_tiling_on_sc=False,
                                             needs_layout_passes=False),
    )
    def gather_kernel(et_hbm, it_hbm, o_hbm, row, ib0, ib1, ob0, ob1,
                      sem_row, sem_i0, sem_i1, sem_o0, sem_o1):
        c = lax.axis_index("core")
        s = lax.axis_index("subcore")
        t = c * 16 + s

        def gather_into(ob, ib):
            @plsc.parallel_loop(0, B, step=_LANES, unroll=_UNROLL)
            def _(i):
                sl = pl.ds(i, _LANES)
                ob[sl] = plsc.load_gather(row, [ib[sl]])

        @pl.loop(0, d_per)
        def _(j):
            d = t * d_per + j
            pltpu.make_async_copy(et_hbm.at[d], row, sem_row).start()
            pltpu.make_async_copy(it_hbm.at[0], ib0, sem_i0).start()
            pltpu.make_async_copy(it_hbm.at[1], ib1, sem_i1).start()
            pltpu.make_async_copy(et_hbm.at[d], row, sem_row).wait()

            @pl.loop(0, H // 2)
            def _(hh):
                h0 = 2 * hh
                h1 = h0 + 1

                pltpu.make_async_copy(it_hbm.at[h0], ib0, sem_i0).wait()

                @pl.when(hh > 0)
                def _():
                    pltpu.make_async_copy(ob0, o_hbm.at[h0 - 2, d],
                                          sem_o0).wait()

                gather_into(ob0, ib0)
                pltpu.make_async_copy(ob0, o_hbm.at[h0, d], sem_o0).start()

                @pl.when(h0 + 2 < H)
                def _():
                    pltpu.make_async_copy(it_hbm.at[h0 + 2], ib0,
                                          sem_i0).start()

                pltpu.make_async_copy(it_hbm.at[h1], ib1, sem_i1).wait()

                @pl.when(hh > 0)
                def _():
                    pltpu.make_async_copy(ob1, o_hbm.at[h1 - 2, d],
                                          sem_o1).wait()

                gather_into(ob1, ib1)
                pltpu.make_async_copy(ob1, o_hbm.at[h1, d], sem_o1).start()

                @pl.when(h1 + 2 < H)
                def _():
                    pltpu.make_async_copy(it_hbm.at[h1 + 2], ib1,
                                          sem_i1).start()

            pltpu.make_async_copy(ob0, o_hbm.at[H - 2, d], sem_o0).wait()
            pltpu.make_async_copy(ob1, o_hbm.at[H - 1, d], sem_o1).wait()

    out = gather_kernel(E_T, idx_T)
    return jnp.transpose(out, (2, 0, 1))

# --- scband reference (transcript-rebuilt; emitter-appended) ---
"""Pipeline reference for scband-embedding-29506425323990 (READ-ONLY COPY).

The authoritative reference and input builder live on the scoring server;
editing this copy changes nothing except your own understanding.
"""

import jax, jax.numpy as jnp
import numpy as np
from jax.nn import initializers

VOCAB = 100000
EMBED_DIM = 64
BATCH = 4096
HIST = 50


def setup_inputs(seed: int = 0) -> dict:
    key = jax.random.key(seed)
    k_idx, k_E = jax.random.split(key)
    indices = jax.random.randint(k_idx, (BATCH, HIST), 0, VOCAB, dtype=jnp.int64 if jax.config.jax_enable_x64 else jnp.int32)
    E = initializers.glorot_normal()(k_E, (VOCAB, EMBED_DIM))
    return {"indices": indices, "E": E}


def reference(indices, E):
    # Faithful translation of Embedding.__call__: jnp.take(self.E, indices, axis=0)
    return jnp.take(E, indices, axis=0)

if __name__ == "__main__":
    import jax
    _d = setup_inputs()
    print(jax.jit(kernel)(*tuple(_d.values())))

</pallas_src>

<mosaic_0001>
#map = affine_map<(d0, d1) -> (0, 0)>
#map1 = affine_map<(d0, d1) -> (0, 0, 0)>
module attributes {stable_mosaic.version = 14 : i64} {
  func.func @gather_kernel(%arg0: i32, %arg1: i32, %arg2: memref<64x100000xf32, #tpu.memory_space<hbm>>, %arg3: memref<50x4096xi32, #tpu.memory_space<hbm>>, %arg4: memref<50x64x4096xf32, #tpu.memory_space<hbm>>, %arg5: memref<100000xf32, #tpu.memory_space<vmem>>, %arg6: memref<4096xi32, #tpu.memory_space<vmem>>, %arg7: memref<4096xi32, #tpu.memory_space<vmem>>, %arg8: memref<4096xf32, #tpu.memory_space<vmem>>, %arg9: memref<4096xf32, #tpu.memory_space<vmem>>, %arg10: memref<!tpu.dma_semaphore, #tpu.memory_space<semaphore_mem>>, %arg11: memref<!tpu.dma_semaphore, #tpu.memory_space<semaphore_mem>>, %arg12: memref<!tpu.dma_semaphore, #tpu.memory_space<semaphore_mem>>, %arg13: memref<!tpu.dma_semaphore, #tpu.memory_space<semaphore_mem>>, %arg14: memref<!tpu.dma_semaphore, #tpu.memory_space<semaphore_mem>>) attributes {dimension_semantics = [#tpu.dimension_semantics<core_parallel>, #tpu.dimension_semantics<subcore_parallel>], iteration_bounds = array<i64: 2, 16>, scalar_prefetch = 0 : i64, scratch_operands = 10 : i64, tpu.core_type = #tpu.core_type<sc_vector_subcore>, window_params = [{transform_indices = #map}, {transform_indices = #map}, {transform_indices = #map1}]} {
    %mul3A = arith.constant 16 : i32
    %mul3A_0 = arith.muli %arg0, %mul3A : i32
    %add3A = arith.addi %mul3A_0, %arg1 : i32
    %scan3A = arith.constant 0 : i32
    %scan3A_1 = arith.constant 2 : i32
    %scan3A_2 = arith.addi %scan3A, %scan3A_1 : i32
    %scan3A_3 = arith.constant 1 : i32
    scf.for %scan3A_5 = %scan3A to %scan3A_2 step %scan3A_3  : i32 {
      %mul3A_6 = arith.constant 1 : i32
      %mul3A_7 = arith.muli %scan3A_5, %mul3A_6 : i32
      %add3A_8 = arith.constant 0 : i32
      %add3A_9 = arith.addi %add3A_8, %mul3A_7 : i32
      %mul3A_10 = arith.constant 2 : i32
      %mul3A_11 = arith.muli %add3A, %mul3A_10 : i32
      %add3A_12 = arith.addi %mul3A_11, %add3A_9 : i32
      %dma_start3A = arith.constant 0 : i32
      %dma_start3A_13 = tpu.memref_slice %arg2[%add3A_12, %dma_start3A] : memref<64x100000xf32, #tpu.memory_space<hbm>> -> memref<1x100000xf32, #tpu.memory_space<hbm>>
      %dma_start3A_14 = tpu.memref_squeeze %dma_start3A_13 : memref<1x100000xf32, #tpu.memory_space<hbm>> -> memref<100000xf32, #tpu.memory_space<hbm>>
      %dma_start3A_15 = arith.constant 0 : i32
      %dma_start3A_16 = tpu.memref_slice %arg2[%add3A_12, %dma_start3A_15] : memref<64x100000xf32, #tpu.memory_space<hbm>> -> memref<1x100000xf32, #tpu.memory_space<hbm>>
      %dma_start3A_17 = tpu.memref_squeeze %dma_start3A_16 : memref<1x100000xf32, #tpu.memory_space<hbm>> -> memref<100000xf32, #tpu.memory_space<hbm>>
      tpu.enqueue_dma source(%dma_start3A_17 : memref<100000xf32, #tpu.memory_space<hbm>>) target(%arg5 : memref<100000xf32, #tpu.memory_space<vmem>>) target_semaphore(%arg10 : memref<!tpu.dma_semaphore, #tpu.memory_space<semaphore_mem>>)
      %dma_start3A_18 = arith.constant 0 : i32
      %dma_start3A_19 = arith.constant 0 : i32
      %dma_start3A_20 = tpu.memref_slice %arg3[%dma_start3A_18, %dma_start3A_19] : memref<50x4096xi32, #tpu.memory_space<hbm>> -> memref<1x4096xi32, #tpu.memory_space<hbm>>
      %dma_start3A_21 = tpu.memref_squeeze %dma_start3A_20 : memref<1x4096xi32, #tpu.memory_space<hbm>> -> memref<4096xi32, #tpu.memory_space<hbm>>
      %dma_start3A_22 = arith.constant 0 : i32
      %dma_start3A_23 = tpu.memref_slice %arg3[%dma_start3A_18, %dma_start3A_22] : memref<50x4096xi32, #tpu.memory_space<hbm>> -> memref<1x4096xi32, #tpu.memory_space<hbm>>
      %dma_start3A_24 = tpu.memref_squeeze %dma_start3A_23 : memref<1x4096xi32, #tpu.memory_space<hbm>> -> memref<4096xi32, #tpu.memory_space<hbm>>
      tpu.enqueue_dma source(%dma_start3A_24 : memref<4096xi32, #tpu.memory_space<hbm>>) target(%arg6 : memref<4096xi32, #tpu.memory_space<vmem>>) target_semaphore(%arg11 : memref<!tpu.dma_semaphore, #tpu.memory_space<semaphore_mem>>)
      %dma_start3A_25 = arith.constant 1 : i32
      %dma_start3A_26 = arith.constant 0 : i32
      %dma_start3A_27 = tpu.memref_slice %arg3[%dma_start3A_25, %dma_start3A_26] : memref<50x4096xi32, #tpu.memory_space<hbm>> -> memref<1x4096xi32, #tpu.memory_space<hbm>>
      %dma_start3A_28 = tpu.memref_squeeze %dma_start3A_27 : memref<1x4096xi32, #tpu.memory_space<hbm>> -> memref<4096xi32, #tpu.memory_space<hbm>>
      %dma_start3A_29 = arith.constant 0 : i32
      %dma_start3A_30 = tpu.memref_slice %arg3[%dma_start3A_25, %dma_start3A_29] : memref<50x4096xi32, #tpu.memory_space<hbm>> -> memref<1x4096xi32, #tpu.memory_space<hbm>>
      %dma_start3A_31 = tpu.memref_squeeze %dma_start3A_30 : memref<1x4096xi32, #tpu.memory_space<hbm>> -> memref<4096xi32, #tpu.memory_space<hbm>>
      tpu.enqueue_dma source(%dma_start3A_31 : memref<4096xi32, #tpu.memory_space<hbm>>) target(%arg7 : memref<4096xi32, #tpu.memory_space<vmem>>) target_semaphore(%arg12 : memref<!tpu.dma_semaphore, #tpu.memory_space<semaphore_mem>>)
      %dma_wait3A = arith.constant 0 : i32
      %dma_wait3A_32 = tpu.memref_slice %arg2[%add3A_12, %dma_wait3A] : memref<64x100000xf32, #tpu.memory_space<hbm>> -> memref<1x100000xf32, #tpu.memory_space<hbm>>
      %dma_wait3A_33 = tpu.memref_squeeze %dma_wait3A_32 : memref<1x100000xf32, #tpu.memory_space<hbm>> -> memref<100000xf32, #tpu.memory_space<hbm>>
      %dma_wait3A_34 = arith.constant 0 : i32
      %dma_wait3A_35 = tpu.memref_slice %arg2[%add3A_12, %dma_wait3A_34] : memref<64x100000xf32, #tpu.memory_space<hbm>> -> memref<1x100000xf32, #tpu.memory_space<hbm>>
      %dma_wait3A_36 = tpu.memref_squeeze %dma_wait3A_35 : memref<1x100000xf32, #tpu.memory_space<hbm>> -> memref<100000xf32, #tpu.memory_space<hbm>>
      tpu.wait_dma2 semaphore(%arg10 : memref<!tpu.dma_semaphore, #tpu.memory_space<semaphore_mem>>) src(%dma_wait3A_36 : memref<100000xf32, #tpu.memory_space<hbm>>) dst(%arg5 : memref<100000xf32, #tpu.memory_space<vmem>>)
      %scan3A_37 = arith.constant 0 : i32
      %scan3A_38 = arith.constant 25 : i32
      %scan3A_39 = arith.addi %scan3A_37, %scan3A_38 : i32
      %scan3A_40 = arith.constant 1 : i32
      scf.for %scan3A_56 = %scan3A_37 to %scan3A_39 step %scan3A_40  : i32 {
        %mul3A_57 = arith.constant 1 : i32
        %mul3A_58 = arith.muli %scan3A_56, %mul3A_57 : i32
        %add3A_59 = arith.constant 0 : i32
        %add3A_60 = arith.addi %add3A_59, %mul3A_58 : i32
        %mul3A_61 = arith.constant 2 : i32
        %mul3A_62 = arith.muli %mul3A_61, %add3A_60 : i32
        %add3A_63 = arith.constant 1 : i32
        %add3A_64 = arith.addi %mul3A_62, %add3A_63 : i32
        %dma_wait3A_65 = arith.constant 0 : i32
        %dma_wait3A_66 = tpu.memref_slice %arg3[%mul3A_62, %dma_wait3A_65] : memref<50x4096xi32, #tpu.memory_space<hbm>> -> memref<1x4096xi32, #tpu.memory_space<hbm>>
        %dma_wait3A_67 = tpu.memref_squeeze %dma_wait3A_66 : memref<1x4096xi32, #tpu.memory_space<hbm>> -> memref<4096xi32, #tpu.memory_space<hbm>>
        %dma_wait3A_68 = arith.constant 0 : i32
        %dma_wait3A_69 = tpu.memref_slice %arg3[%mul3A_62, %dma_wait3A_68] : memref<50x4096xi32, #tpu.memory_space<hbm>> -> memref<1x4096xi32, #tpu.memory_space<hbm>>
        %dma_wait3A_70 = tpu.memref_squeeze %dma_wait3A_69 : memref<1x4096xi32, #tpu.memory_space<hbm>> -> memref<4096xi32, #tpu.memory_space<hbm>>
        tpu.wait_dma2 semaphore(%arg11 : memref<!tpu.dma_semaphore, #tpu.memory_space<semaphore_mem>>) src(%dma_wait3A_70 : memref<4096xi32, #tpu.memory_space<hbm>>) dst(%arg6 : memref<4096xi32, #tpu.memory_space<vmem>>)
        %gt3A = arith.constant 0 : i32
        %gt3A_71 = arith.cmpi sgt, %add3A_60, %gt3A : i32
        %convert_element_type3A = arith.extui %gt3A_71 : i1 to i32
        %cond3A = arith.constant 0 : i32
        %cond3A_72 = arith.cmpi ne, %convert_element_type3A, %cond3A : i32
        scf.if %cond3A_72 {
          %sub3A = arith.constant 2 : i32
          %sub3A_114 = arith.subi %mul3A_62, %sub3A : i32
          %dma_wait3A_115 = arith.constant 0 : i32
          %dma_wait3A_116 = tpu.memref_slice %arg4[%sub3A_114, %add3A_12, %dma_wait3A_115] : memref<50x64x4096xf32, #tpu.memory_space<hbm>> -> memref<1x1x4096xf32, #tpu.memory_space<hbm>>
          %dma_wait3A_117 = tpu.memref_squeeze %dma_wait3A_116 : memref<1x1x4096xf32, #tpu.memory_space<hbm>> -> memref<4096xf32, #tpu.memory_space<hbm>>
          %dma_wait3A_118 = arith.constant 0 : i32
          %dma_wait3A_119 = tpu.memref_slice %arg4[%sub3A_114, %add3A_12, %dma_wait3A_118] : memref<50x64x4096xf32, #tpu.memory_space<hbm>> -> memref<1x1x4096xf32, #tpu.memory_space<hbm>>
          %dma_wait3A_120 = tpu.memref_squeeze %dma_wait3A_119 : memref<1x1x4096xf32, #tpu.memory_space<hbm>> -> memref<4096xf32, #tpu.memory_space<hbm>>
          tpu.wait_dma2 semaphore(%arg13 : memref<!tpu.dma_semaphore, #tpu.memory_space<semaphore_mem>>) src(%arg8 : memref<4096xf32, #tpu.memory_space<vmem>>) dst(%dma_wait3A_120 : memref<4096xf32, #tpu.memory_space<hbm>>)
        } else {
        }
        %parallel_loop3A = arith.constant 0 : i32
        %parallel_loop3A_73 = arith.constant 4096 : i32
        %parallel_loop3A_74 = arith.constant 16 : i32
        scf.for %parallel_loop3A_114 = %parallel_loop3A to %parallel_loop3A_73 step %parallel_loop3A_74  : i32 {
          %parallel_loop3A_115 = arith.index_cast %parallel_loop3A_114 : i32 to index
          %parallel_loop3A_116 = tpu.vector_load %arg6[%parallel_loop3A_115] {strides = array<i32>} : memref<4096xi32, #tpu.memory_space<vmem>>, vector<16xi32>,
          %parallel_loop3A_117 = tpu.vector_load_idx %arg5[%parallel_loop3A_116] : memref<100000xf32, #tpu.memory_space<vmem>>[vector<16xi32>], vector<16xf32>,
          %parallel_loop3A_118 = arith.index_cast %parallel_loop3A_114 : i32 to index
          %parallel_loop3A_119 = tpu.vector_load %arg8[%parallel_loop3A_118] {strides = array<i32>} : memref<4096xf32, #tpu.memory_space<vmem>>, vector<16xf32>,
          tpu.vector_store %arg8[%parallel_loop3A_118], %parallel_loop3A_117 {strides = array<i32>} : memref<4096xf32, #tpu.memory_space<vmem>>, vector<16xf32>,
        } {sc.loop_unroll_factor = 16 : i64, sc.parallel_access}
        %dma_start3A_75 = arith.constant 0 : i32
        %dma_start3A_76 = tpu.memref_slice %arg4[%mul3A_62, %add3A_12, %dma_start3A_75] : memref<50x64x4096xf32, #tpu.memory_space<hbm>> -> memref<1x1x4096xf32, #tpu.memory_space<hbm>>
        %dma_start3A_77 = tpu.memref_squeeze %dma_start3A_76 : memref<1x1x4096xf32, #tpu.memory_space<hbm>> -> memref<4096xf32, #tpu.memory_space<hbm>>
        %dma_start3A_78 = arith.constant 0 : i32
        %dma_start3A_79 = tpu.memref_slice %arg4[%mul3A_62, %add3A_12, %dma_start3A_78] : memref<50x64x4096xf32, #tpu.memory_space<hbm>> -> memref<1x1x4096xf32, #tpu.memory_space<hbm>>
        %dma_start3A_80 = tpu.memref_squeeze %dma_start3A_79 : memref<1x1x4096xf32, #tpu.memory_space<hbm>> -> memref<4096xf32, #tpu.memory_space<hbm>>
        tpu.enqueue_dma source(%arg8 : memref<4096xf32, #tpu.memory_space<vmem>>) target(%dma_start3A_80 : memref<4096xf32, #tpu.memory_space<hbm>>) target_semaphore(%arg13 : memref<!tpu.dma_semaphore, #tpu.memory_space<semaphore_mem>>)
        %add3A_81 = arith.constant 2 : i32
        %add3A_82 = arith.addi %mul3A_62, %add3A_81 : i32
        %lt3A = arith.constant 50 : i32
        %lt3A_83 = arith.cmpi slt, %add3A_82, %lt3A : i32
        %convert_element_type3A_84 = arith.extui %lt3A_83 : i1 to i32
        %cond3A_85 = arith.constant 0 : i32
        %cond3A_86 = arith.cmpi ne, %convert_element_type3A_84, %cond3A_85 : i32
        scf.if %cond3A_86 {
          %add3A_114 = arith.constant 2 : i32
          %add3A_115 = arith.addi %mul3A_62, %add3A_114 : i32
          %dma_start3A_116 = arith.constant 0 : i32
          %dma_start3A_117 = tpu.memref_slice %arg3[%add3A_115, %dma_start3A_116] : memref<50x4096xi32, #tpu.memory_space<hbm>> -> memref<1x4096xi32, #tpu.memory_space<hbm>>
          %dma_start3A_118 = tpu.memref_squeeze %dma_start3A_117 : memref<1x4096xi32, #tpu.memory_space<hbm>> -> memref<4096xi32, #tpu.memory_space<hbm>>
          %dma_start3A_119 = arith.constant 0 : i32
          %dma_start3A_120 = tpu.memref_slice %arg3[%add3A_115, %dma_start3A_119] : memref<50x4096xi32, #tpu.memory_space<hbm>> -> memref<1x4096xi32, #tpu.memory_space<hbm>>
          %dma_start3A_121 = tpu.memref_squeeze %dma_start3A_120 : memref<1x4096xi32, #tpu.memory_space<hbm>> -> memref<4096xi32, #tpu.memory_space<hbm>>
          tpu.enqueue_dma source(%dma_start3A_121 : memref<4096xi32, #tpu.memory_space<hbm>>) target(%arg6 : memref<4096xi32, #tpu.memory_space<vmem>>) target_semaphore(%arg11 : memref<!tpu.dma_semaphore, #tpu.memory_space<semaphore_mem>>)
        } else {
        }
        %dma_wait3A_87 = arith.constant 0 : i32
        %dma_wait3A_88 = tpu.memref_slice %arg3[%add3A_64, %dma_wait3A_87] : memref<50x4096xi32, #tpu.memory_space<hbm>> -> memref<1x4096xi32, #tpu.memory_space<hbm>>
        %dma_wait3A_89 = tpu.memref_squeeze %dma_wait3A_88 : memref<1x4096xi32, #tpu.memory_space<hbm>> -> memref<4096xi32, #tpu.memory_space<hbm>>
        %dma_wait3A_90 = arith.constant 0 : i32
        %dma_wait3A_91 = tpu.memref_slice %arg3[%add3A_64, %dma_wait3A_90] : memref<50x4096xi32, #tpu.memory_space<hbm>> -> memref<1x4096xi32, #tpu.memory_space<hbm>>
        %dma_wait3A_92 = tpu.memref_squeeze %dma_wait3A_91 : memref<1x4096xi32, #tpu.memory_space<hbm>> -> memref<4096xi32, #tpu.memory_space<hbm>>
        tpu.wait_dma2 semaphore(%arg12 : memref<!tpu.dma_semaphore, #tpu.memory_space<semaphore_mem>>) src(%dma_wait3A_92 : memref<4096xi32, #tpu.memory_space<hbm>>) dst(%arg7 : memref<4096xi32, #tpu.memory_space<vmem>>)
        %gt3A_93 = arith.constant 0 : i32
        %gt3A_94 = arith.cmpi sgt, %add3A_60, %gt3A_93 : i32
        %convert_element_type3A_95 = arith.extui %gt3A_94 : i1 to i32
        %cond3A_96 = arith.constant 0 : i32
        %cond3A_97 = arith.cmpi ne, %convert_element_type3A_95, %cond3A_96 : i32
        scf.if %cond3A_97 {
          %sub3A = arith.constant 2 : i32
          %sub3A_114 = arith.subi %add3A_64, %sub3A : i32
          %dma_wait3A_115 = arith.constant 0 : i32
          %dma_wait3A_116 = tpu.memref_slice %arg4[%sub3A_114, %add3A_12, %dma_wait3A_115] : memref<50x64x4096xf32, #tpu.memory_space<hbm>> -> memref<1x1x4096xf32, #tpu.memory_space<hbm>>
          %dma_wait3A_117 = tpu.memref_squeeze %dma_wait3A_116 : memref<1x1x4096xf32, #tpu.memory_space<hbm>> -> memref<4096xf32, #tpu.memory_space<hbm>>
          %dma_wait3A_118 = arith.constant 0 : i32
          %dma_wait3A_119 = tpu.memref_slice %arg4[%sub3A_114, %add3A_12, %dma_wait3A_118] : memref<50x64x4096xf32, #tpu.memory_space<hbm>> -> memref<1x1x4096xf32, #tpu.memory_space<hbm>>
          %dma_wait3A_120 = tpu.memref_squeeze %dma_wait3A_119 : memref<1x1x4096xf32, #tpu.memory_space<hbm>> -> memref<4096xf32, #tpu.memory_space<hbm>>
          tpu.wait_dma2 semaphore(%arg14 : memref<!tpu.dma_semaphore, #tpu.memory_space<semaphore_mem>>) src(%arg9 : memref<4096xf32, #tpu.memory_space<vmem>>) dst(%dma_wait3A_120 : memref<4096xf32, #tpu.memory_space<hbm>>)
        } else {
        }
        %parallel_loop3A_98 = arith.constant 0 : i32
        %parallel_loop3A_99 = arith.constant 4096 : i32
        %parallel_loop3A_100 = arith.constant 16 : i32
        scf.for %parallel_loop3A_114 = %parallel_loop3A_98 to %parallel_loop3A_99 step %parallel_loop3A_100  : i32 {
          %parallel_loop3A_115 = arith.index_cast %parallel_loop3A_114 : i32 to index
          %parallel_loop3A_116 = tpu.vector_load %arg7[%parallel_loop3A_115] {strides = array<i32>} : memref<4096xi32, #tpu.memory_space<vmem>>, vector<16xi32>,
          %parallel_loop3A_117 = tpu.vector_load_idx %arg5[%parallel_loop3A_116] : memref<100000xf32, #tpu.memory_space<vmem>>[vector<16xi32>], vector<16xf32>,
          %parallel_loop3A_118 = arith.index_cast %parallel_loop3A_114 : i32 to index
          %parallel_loop3A_119 = tpu.vector_load %arg9[%parallel_loop3A_118] {strides = array<i32>} : memref<4096xf32, #tpu.memory_space<vmem>>, vector<16xf32>,
          tpu.vector_store %arg9[%parallel_loop3A_118], %parallel_loop3A_117 {strides = array<i32>} : memref<4096xf32, #tpu.memory_space<vmem>>, vector<16xf32>,
        } {sc.loop_unroll_factor = 16 : i64, sc.parallel_access}
        %dma_start3A_101 = arith.constant 0 : i32
        %dma_start3A_102 = tpu.memref_slice %arg4[%add3A_64, %add3A_12, %dma_start3A_101] : memref<50x64x4096xf32, #tpu.memory_space<hbm>> -> memref<1x1x4096xf32, #tpu.memory_space<hbm>>
        %dma_start3A_103 = tpu.memref_squeeze %dma_start3A_102 : memref<1x1x4096xf32, #tpu.memory_space<hbm>> -> memref<4096xf32, #tpu.memory_space<hbm>>
        %dma_start3A_104 = arith.constant 0 : i32
        %dma_start3A_105 = tpu.memref_slice %arg4[%add3A_64, %add3A_12, %dma_start3A_104] : memref<50x64x4096xf32, #tpu.memory_space<hbm>> -> memref<1x1x4096xf32, #tpu.memory_space<hbm>>
        %dma_start3A_106 = tpu.memref_squeeze %dma_start3A_105 : memref<1x1x4096xf32, #tpu.memory_space<hbm>> -> memref<4096xf32, #tpu.memory_space<hbm>>
        tpu.enqueue_dma source(%arg9 : memref<4096xf32, #tpu.memory_space<vmem>>) target(%dma_start3A_106 : memref<4096xf32, #tpu.memory_space<hbm>>) target_semaphore(%arg14 : memref<!tpu.dma_semaphore, #tpu.memory_space<semaphore_mem>>)
        %add3A_107 = arith.constant 2 : i32
        %add3A_108 = arith.addi %add3A_64, %add3A_107 : i32
        %lt3A_109 = arith.constant 50 : i32
        %lt3A_110 = arith.cmpi slt, %add3A_108, %lt3A_109 : i32
        %convert_element_type3A_111 = arith.extui %lt3A_110 : i1 to i32
        %cond3A_112 = arith.constant 0 : i32
        %cond3A_113 = arith.cmpi ne, %convert_element_type3A_111, %cond3A_112 : i32
        scf.if %cond3A_113 {
          %add3A_114 = arith.constant 2 : i32
          %add3A_115 = arith.addi %add3A_64, %add3A_114 : i32
          %dma_start3A_116 = arith.constant 0 : i32
          %dma_start3A_117 = tpu.memref_slice %arg3[%add3A_115, %dma_start3A_116] : memref<50x4096xi32, #tpu.memory_space<hbm>> -> memref<1x4096xi32, #tpu.memory_space<hbm>>
          %dma_start3A_118 = tpu.memref_squeeze %dma_start3A_117 : memref<1x4096xi32, #tpu.memory_space<hbm>> -> memref<4096xi32, #tpu.memory_space<hbm>>
          %dma_start3A_119 = arith.constant 0 : i32
          %dma_start3A_120 = tpu.memref_slice %arg3[%add3A_115, %dma_start3A_119] : memref<50x4096xi32, #tpu.memory_space<hbm>> -> memref<1x4096xi32, #tpu.memory_space<hbm>>
          %dma_start3A_121 = tpu.memref_squeeze %dma_start3A_120 : memref<1x4096xi32, #tpu.memory_space<hbm>> -> memref<4096xi32, #tpu.memory_space<hbm>>
          tpu.enqueue_dma source(%dma_start3A_121 : memref<4096xi32, #tpu.memory_space<hbm>>) target(%arg7 : memref<4096xi32, #tpu.memory_space<vmem>>) target_semaphore(%arg12 : memref<!tpu.dma_semaphore, #tpu.memory_space<semaphore_mem>>)
        } else {
        }
      }
      %scan3A_41 = arith.constant 25 : i32
      %dma_wait3A_42 = arith.constant 48 : i32
      %dma_wait3A_43 = arith.constant 0 : i32
      %dma_wait3A_44 = tpu.memref_slice %arg4[%dma_wait3A_42, %add3A_12, %dma_wait3A_43] : memref<50x64x4096xf32, #tpu.memory_space<hbm>> -> memref<1x1x4096xf32, #tpu.memory_space<hbm>>
      %dma_wait3A_45 = tpu.memref_squeeze %dma_wait3A_44 : memref<1x1x4096xf32, #tpu.memory_space<hbm>> -> memref<4096xf32, #tpu.memory_space<hbm>>
      %dma_wait3A_46 = arith.constant 0 : i32
      %dma_wait3A_47 = tpu.memref_slice %arg4[%dma_wait3A_42, %add3A_12, %dma_wait3A_46] : memref<50x64x4096xf32, #tpu.memory_space<hbm>> -> memref<1x1x4096xf32, #tpu.memory_space<hbm>>
      %dma_wait3A_48 = tpu.memref_squeeze %dma_wait3A_47 : memref<1x1x4096xf32, #tpu.memory_space<hbm>> -> memref<4096xf32, #tpu.memory_space<hbm>>
      tpu.wait_dma2 semaphore(%arg13 : memref<!tpu.dma_semaphore, #tpu.memory_space<semaphore_mem>>) src(%arg8 : memref<4096xf32, #tpu.memory_space<vmem>>) dst(%dma_wait3A_48 : memref<4096xf32, #tpu.memory_space<hbm>>)
      %dma_wait3A_49 = arith.constant 49 : i32
      %dma_wait3A_50 = arith.constant 0 : i32
      %dma_wait3A_51 = tpu.memref_slice %arg4[%dma_wait3A_49, %add3A_12, %dma_wait3A_50] : memref<50x64x4096xf32, #tpu.memory_space<hbm>> -> memref<1x1x4096xf32, #tpu.memory_space<hbm>>
      %dma_wait3A_52 = tpu.memref_squeeze %dma_wait3A_51 : memref<1x1x4096xf32, #tpu.memory_space<hbm>> -> memref<4096xf32, #tpu.memory_space<hbm>>
      %dma_wait3A_53 = arith.constant 0 : i32
      %dma_wait3A_54 = tpu.memref_slice %arg4[%dma_wait3A_49, %add3A_12, %dma_wait3A_53] : memref<50x64x4096xf32, #tpu.memory_space<hbm>> -> memref<1x1x4096xf32, #tpu.memory_space<hbm>>
      %dma_wait3A_55 = tpu.memref_squeeze %dma_wait3A_54 : memref<1x1x4096xf32, #tpu.memory_space<hbm>> -> memref<4096xf32, #tpu.memory_space<hbm>>
      tpu.wait_dma2 semaphore(%arg14 : memref<!tpu.dma_semaphore, #tpu.memory_space<semaphore_mem>>) src(%arg9 : memref<4096xf32, #tpu.memory_space<vmem>>) dst(%dma_wait3A_55 : memref<4096xf32, #tpu.memory_space<hbm>>)
    }
    %scan3A_4 = arith.constant 2 : i32
    return
  }
}

</mosaic_0001>

<sc_bundles>
// kernel: kernel.3.cloned.1.call-start
scs
__scs_entry_jumppad:
0x0: {  	(pc) =	sbr.rel $0x88, $3  }
0x1: {  	(tag) =	ssettag $0x0;
	lr =	simm.s32 $0x1  }
0x2: {  	[smem:$0x3F9F] =	sst lr;
	_ =	strace $0xD0000000  }
0x3: {  	_ = 	snop  }
0x4: {  	_ = 	snop  }
0x5: {  	_ = 	snop  }
0x6: {  	_ = 	snop  }
0x7: {  	_ = 	snop  }
__scs_overlays_trampoline_lowered:
0x8: {  	[smem:$0x3FAE] =	sst s0  }
0x9: {  	[smem:$0x3FAF] =	sst s1  }
0xa: {  	[smem:$0x3FB0] =	sst s2  }
0xb: {  	[smem:$0x3FB1] =	sst s3  }
0xc: {  	[smem:$0x3FB2] =	sst s4  }
0xd: {  	[smem:$0x3FB3] =	sst s5  }
0xe: {  	[smem:$0x3FB4] =	sst s6  }
0xf: {  	[smem:$0x3FB5] =	sst s7  }
0x10: {  	[smem:$0x3FB6] =	sst s8  }
0x11: {  	[smem:$0x3FB7] =	sst s9;
	s0 =	simm.s32 @!p0 $0x0  }
0x12: {  	s1 =	sld [smem:$0x3F9D];
	s0 =	simm.s32 @p0 $0x1  }
0x13: {  	[smem:$0x3FB8] =	sst s0;
	s0 =	simm.s32 @!p1 $0x0  }
0x14: {  	s2 =	sld [smem:$0x3F9C];
	s0 =	simm.s32 @p1 $0x1  }
0x15: {  	[smem:$0x3FB9] =	sst s0;
	s0 =	simm.s32 @!p2 $0x0  }
0x16: {  	s3 =	sld [smem:$0x3FDB];
	s0 =	simm.s32 @p2 $0x1  }
0x17: {  	s4 =	simm.s32 $0x1BF5;
	[smem:$0x3FBB] =	sst s0  }
0x18: {  	s0 =	sld [smem:$0x3F9E];
	_ =	swait.ge [sflag:s4], $0x0  }
0x19: {  	s7 =	sld [smem:$0x3F9F]  }
0x1a: {  	s8 =	sadd.s32 $0xFFFFE003, lr  }
0x1b: {  	s9 =	sadd.s32 $0xFFFFFEF7, lr;
	s5 =	simm.s32 $0xFFFFFFFF;
	p2 =	slt.u32 s8, $0xFFFFF086  }
0x1c: {  	p1 =	slt.u32 s9, $0xF7A;
	s5 =	simm.s32 @!p2 $0x0  }
0x1d: {  	s5 =	simm.s32 @p1 $0x1;
	p0 =	seq.s32 s7, s2  }
0x1e: {  	s7 =	smul.u32 @!p0 $0xF7A, s2;
	p2 =	seq.s32 @!p0 s5, $0x0  }
0x1f: {  	s9 =	smul.u32 $0xF7A, s1;
	s8 =	simm.s32 @!p0 $0x1BF5;
	p2 =	por !p2, p0  }
0x20: {  	[sflag:s8] =	ssyncset.s32 @!p0 $0xFFFFF086;
	s6 =	sadd.s32 @!p0 s3, s7;
	s7 =	simm.s32 @!p0 $0x108  }
0x21: {  	s3 =	sadd.s32 s3, s9;
	s6 =	sadd.s32 @!p0 $0x88, s6;
	s7 =	simm.s32 @p2 $0x1082  }
0x22: {  	[simem:s7], [sflag:s8] =	dma.local @!p0 [hbm:s6], $0xF7A  }
0x23: {  	s9 =	sor.u32 $0xD0000000, s2;
	s6 =	simm.s32 $0x108;
	_ =	swait.ge @!p0 [sflag:s8], $0x0  }
0x24: {  	s3 =	sadd.s32 $0x88, s3;
	s6 =	simm.s32 @!p1 $0x1082;
	[sflag:s4] =	ssyncset.s32 $0xFFFFF086  }
0x25: {  	[simem:s6], [sflag:s4] =	dma.local [hbm:s3], $0xF7A  }
0x26: {  	[smem:$0x3F9F] =	sst s1;
	(tag) =	ssettag s2;
	_ =	strace s9  }
0x27: {  	s1 =	sld [smem:$0x3FAF]  }
0x28: {  	s2 =	sld [smem:$0x3FB0]  }
0x29: {  	s4 =	sld [smem:$0x3FB2]  }
0x2a: {  	p0 =	seq.s32 s5, $0x0;
	s5 =	sld [smem:$0x3FB3]  }
0x2b: {  	s6 =	sld [smem:$0x3FB4]  }
0x2c: {  	s7 =	sld [smem:$0x3FB5]  }
0x2d: {  	s3 =	simm.s32 $0x108;
	s8 =	sld [smem:$0x3FB6]  }
0x2e: {  	s3 =	simm.s32 @!p0 $0x1082;
	s9 =	sld [smem:$0x3FB7]  }
0x2f: {  	lr =	sadd.s32 s0, s3;
	s0 =	sld [smem:$0x3FAE]  }
0x30: {  	s3 =	sld [smem:$0x3FB1]  }
0x31: {  	[smem:$0x3FBA] =	sst s10  }
0x32: {  	s10 =	sld [smem:$0x3FB8];
	_ =	sdelay $0x3  }
0x33: {  	p0 =	seq.s32 s10, $0x1;
	s10 =	sld [smem:$0x3FBA];
	_ =	sdelay $0x3  }
0x34: {  	[smem:$0x3FBA] =	sst s10  }
0x35: {  	s10 =	sld [smem:$0x3FB9];
	_ =	sdelay $0x3  }
0x36: {  	p1 =	seq.s32 s10, $0x1;
	s10 =	sld [smem:$0x3FBA];
	_ =	sdelay $0x3  }
0x37: {  	[smem:$0x3FBA] =	sst s10  }
0x38: {  	s10 =	sld [smem:$0x3FBB]  }
0x39: {  	_ = 	snop;
	(pc) =	sbr.ind lr, $3  }
0x3a: {  	_ = 	snop  }
0x3b: {  	_ = 	snop  }
0x3c: {  	p2 =	seq.s32 s10, $0x1;
	s10 =	sld [smem:$0x3FBA]  }
0x3d: {  	_ =	shalt  }
0x3e: {  	_ =	shalt  }
0x3f: {  	_ =	shalt  }
0x40: {  	_ =	shalt  }
0x41: {  	_ =	shalt  }
0x42: {  	_ =	shalt  }
0x43: {  	_ =	shalt  }
0x44: {  	_ =	shalt  }
0x45: {  	_ =	shalt  }
0x46: {  	_ =	shalt  }
0x47: {  	_ =	shalt  }
0x48: {  	_ =	shalt  }
0x49: {  	_ =	shalt  }
0x4a: {  	_ =	shalt  }
0x4b: {  	_ =	shalt  }
0x4c: {  	_ =	shalt  }
0x4d: {  	_ =	shalt  }
0x4e: {  	_ =	shalt  }
0x4f: {  	_ =	shalt  }
0x50: {  	_ =	shalt  }
0x51: {  	_ =	shalt  }
0x52: {  	_ =	shalt  }
0x53: {  	_ =	shalt  }
0x54: {  	_ =	shalt  }
0x55: {  	_ =	shalt  }
0x56: {  	_ =	shalt  }
0x57: {  	_ =	shalt  }
0x58: {  	_ =	shalt  }
0x59: {  	_ =	shalt  }
0x5a: {  	_ =	shalt  }
0x5b: {  	_ =	shalt  }
0x5c: {  	_ =	shalt  }
0x5d: {  	_ =	shalt  }
0x5e: {  	_ =	shalt  }
0x5f: {  	_ =	shalt  }
0x60: {  	_ =	shalt  }
0x61: {  	_ =	shalt  }
0x62: {  	_ =	shalt  }
0x63: {  	_ =	shalt  }
0x64: {  	_ =	shalt  }
0x65: {  	_ =	shalt  }
0x66: {  	_ =	shalt  }
0x67: {  	_ =	shalt  }
0x68: {  	_ =	shalt  }
0x69: {  	_ =	shalt  }
0x6a: {  	_ =	shalt  }
0x6b: {  	_ =	shalt  }
0x6c: {  	_ =	shalt  }
0x6d: {  	_ =	shalt  }
0x6e: {  	_ =	shalt  }
0x6f: {  	_ =	shalt  }
0x70: {  	_ =	shalt  }
0x71: {  	_ =	shalt  }
0x72: {  	_ =	shalt  }
0x73: {  	_ =	shalt  }
0x74: {  	_ =	shalt  }
0x75: {  	_ =	shalt  }
0x76: {  	_ =	shalt  }
0x77: {  	_ =	shalt  }
0x78: {  	_ =	shalt  }
0x79: {  	_ =	shalt  }
0x7a: {  	_ =	shalt  }
0x7b: {  	_ =	shalt  }
0x7c: {  	_ =	shalt  }
0x7d: {  	_ =	shalt  }
0x7e: {  	_ =	shalt  }
0x7f: {  	_ =	shalt  }
0x80: {  	_ =	shalt  }
0x81: {  	_ =	shalt  }
0x82: {  	_ =	shalt  }
0x83: {  	_ =	shalt  }
0x84: {  	_ =	shalt  }
0x85: {  	_ =	shalt  }
0x86: {  	_ =	shalt  }
0x87: {  	_ =	shalt  }
.Lfunc_end0:
.L_simem_size_0:
called_computation_lowered:
.L_overlay_start_0:
0x88: {  	s2 =	sld [smem:$0x3FD9]  }
0x89: {  	s3 =	sld [smem:$0x3FFE];
	_ =	sdelay $0x1  }
0x8a: {  	s1 =	srdreg.scid  }
0x8b: {  	s0 =	sand.u32 $0x1, s1  }
0x8c: {  	s17 =	sshll.u32 s0, $0xA;
	s2 =	sadd.s32 s3, s2  }
0x8d: {  	s2 =	sadd.s32 s2, s17  }
0x8e: {  	[smem:$0x3FC6] =	sst s2  }
0x8f: {  	_ = 	snop  }
0x90: {  	s2 =	sld [smem:$0x3FD0];
	(tm) =	ssettm $0x1  }
0x91: {  	s18 =	sld [smem:$0x3FFB];
	_ =	sdelay $0x3  }
0x92: {  	_ =	strace s18  }
0x93: {  	s3 =	sld [smem:$0x3FFC];
	_ =	sdelay $0x3  }
0x94: {  	_ =	strace s3  }
0x95: {  	s3 =	sld [smem:$0x3FFD];
	_ =	sdelay $0x3  }
0x96: {  	_ =	strace s3  }
0x97: {  	_ =	strace $0x8FFFFFFF  }
0x98: {  	s19 =	sld [smem:$0x3FDB];
	_ =	sdelay $0x1  }
0x99: {  	s4 =	simm.s32 $_scs_section_size  }
0x9a: {  	s5 =	simm.s32 $_size__tile_overlayer_lowered;
	s6 =	simm.s32 $_tile_overlayer_lowered  }
0x9b: {  	s22 =	simm.s32 $0x1BFF;
	s21 =	sshll.u32 s6, $0x1;
	s3 =	sadd.s32 s4, s19  }
0x9c: {  	s7 =	simm.s32 $0x0;
	s20 =	sshll.u32 s5, $0x1;
	s5 =	sadd.s32 s21, s3  }
0x9d: {  	[timem:s7], [sflag:s22] =	dma.local [hbm:s5], s20  }
0x9e: {  	_ =	swait.ge [sflag:s22], s20  }
0x9f: {  	s4 =	ssub.s32 $0x0, s20;
	[sflag:s22] =	ssyncset.done $0x0  }
0xa0: {  	[sflag:s22] =	ssyncadd.s32 s4;
	_ =	sdelay $0x1  }
0xa1: {  	s23 =	simm.s32 $0x1B8B  }
0xa2: {  	_ =	swait.ge [sflag:s23], $0x1  }
0xa3: {  	[sflag:s23] =	ssyncset.done $0x0  }
0xa4: {  	s25 =	simm.s32 $0x1B8E;
	s24 =	sld [smem:$0x3FFE];
	[sflag:s23] =	ssyncadd.s32 $0xFFFFFFFF  }
0xa5: {  	s26 =	simm.s32 $execute0_lowered;
	[smem:$0x3FD2] =	sst s25  }
0xa6: {  	s5 =	sshll.u32 s26, $0x1;
	_ =	strace $0x80000046;
	[dreg:$0x1] =	wrdreg $0xFFFFFFFF  }
0xa7: {  	s28 =	simm.s32 $_size_execute0_lowered;
	s3 =	sadd.s32 s3, s5;
	[dreg:$0x0] =	wrdreg $0x0  }
0xa8: {  	s5 =	sshll.u32 s28, $0x1;
	[dreg:$0x2] =	wrdreg s3  }
0xa9: {  	[dreg:$0x3] =	wrdreg s5  }
0xaa: {  	[dreg:$0x4] =	wrdreg $0xC0  }
0xab: {  	_ =	task [dreg:s7], $0x5FFFF  }
0xac: {  	[dreg:$0x1] =	wrdreg $0xFFFFFFFF  }
0xad: {  	[dreg:$0x0] =	wrdreg $0x60  }
0xae: {  	[dreg:$0x2] =	wrdreg s2  }
0xaf: {  	[dreg:$0x3] =	wrdreg s24  }
0xb0: {  	[dreg:$0x4] =	wrdreg $0x9  }
0xb1: {  	_ =	task.clear_ibuf [dreg:s7], $0x5FFFF;
	_ =	strace $0x90000046  }
0xb2: {  	s29 =	simm.s32 $0x9;
	_ =	strace $0x80000048  }
0xb3: {  	_ =	swait.ge [sflag:s29], $0x1  }
0xb4: {  	[sflag:s29] =	ssyncadd.s32 $0xFFFFFFFF  }
0xb5: {  	_ =	strace $0x90000048  }
0xb6: {  	_ =	sfence  }
0xb7: {  	s30 =	sld [smem:$0x0];
	_ =	sdelay $0x2  }
0xb8: {  	s31 =	sshll.u32 s1, $0xD;
	s1 =	sshrl.u32 s1, $0x2  }
0xb9: {  	s3 =	sand.u32 $0x4000, s31;
	s1 =	sadd.s32 s1, s30  }
0xba: {  	s0 =	sor.u32 s3, s0;
	s1 =	sshll.u32 s1, $0x11  }
0xbb: {  	s0 =	sor.u32 s1, s0  }
0xbc: {  	s0 =	sadd.s32 $0x8F2B, s0  }
0xbd: {  	[sflag:s0] =	ssyncadd.remote.s32 $0x1  }
0xbe: {  	_ =	sfence.sel $0xFFFF  }
0xbf: {  	[dreg:$0x0] =	wrdreg $0xFFFFFFFF;
	(pc) =	sbr.abs _section_cstart, $3  }
0xc0: {  	[dreg:$0x1] =	wrdreg $0xFFFFFFFF  }
0xc1: {  	_ =	task.clear_ibuf [dreg:s7], $0x2FFFF;
	_ =	strace $0x9FFFFFFF  }
0xc2: {  	(tm) =	ssettm $0x7FFFFFFF  }
0xc3: {  	_ =	shalt  }
tec
execute0_lowered:
.L_overlay_start_1:
0x0: {  	(tag) =	ssettag $0x1  }
0x1: {  	s1 =	rddreg [dreg:$0x0]  }
0x2: {  	s9 =	rddreg [dreg:$0x1]  }
0x3: {  	s0 =	rddreg [dreg:$0x2];
	s2 =	simm.s32 $0x0;
	s3 =	srdreg.scid  }
0x4: {  	s11 =	simm.s32 $0x186A0;
	s12 =	simm.s32 $0x196A0;
	s13 =	simm.s32 $0x1  }
0x5: {  	s14 =	simm.s32 $0x2;
	s15 =	simm.s32 $0x1A6A0;
	s16 =	simm.s32 $0x3  }
0x6: {  	s17 =	simm.s32 $0x5;
	s18 =	simm.s32 $0x1B6A0;
	s19 =	simm.s32 $0x4  }
0x7: {  	s20 =	simm.s32 $0x0;
	[smem:$0x7FF] =	sst s2;
	s6 =	sand.u32 $0x1, s3  }
.Ltmp0:
0x8: {  	s4 =	sadd.s32 $0x400, s9;
	s5 =	sadd.s32 $0x6800, s9;
	(pc) =	sbr.rel .LBB2_1-.Ltmp0, $4  }
0x9: {  	s3 =	stileid.u32;
	_ =	strace $0x80000047;
	s7 =	ssub.s32 $0x2, s6  }
0xa: {  	s6 =	sshll.u32 s6, $0x5;
	s31 =	sshll.u32 s3, $0x1;
	s8 =	sshrl.u32 s7, $0x1  }
0xb: {  	s6 =	sor.u32 s31, s6;
	s10 =	ssub.s32 s7, s8;
	s7 =	sadd.s32 $0x600, s9  }
0xc: {  	s8 =	sadd.s32 $0x800, s9;
	s9 =	sadd.s32 $0xA00, s9;
	s10 =	smax.u32 s10, $0x1  }
.LBB2_14:
0xd: {  	s20 =	sadd.s32 $0x1, s20  }
0xe: {  	p0 =	sne.s32 s20, s10  }
.Ltmp1:
0xf: {  	_ = 	snop;
	(pc) =	sbr.rel @!p0 .LBB2_15-.Ltmp1, $1  }
0x10: {  	_ =	sdelay $0x3  }
.LBB2_1:
.Ltmp2:
0x11: {  	(pc) =	sbr.rel .LBB2_2-.Ltmp2, $2  }
0x12: {  	_ =	sdelay $0x2  }
0x13: {  	p1 =	por $0x1, $0x1;
	s21 =	simm.s32 $0x0  }
.LBB2_13:
0x14: {  	_ =	swait.ge [sflag:s19], $0x1000  }
.Ltmp3:
0x15: {  	[sflag:s19] =	ssyncset.done $0x0;
	(pc) =	sbr.rel @!p0 .LBB2_14-.Ltmp3, $4  }
0x16: {  	[sflag:s19] =	ssyncadd.s32 $0xFFFFF000  }
0x17: {  	_ =	swait.ge [sflag:s17], $0x1000  }
0x18: {  	[sflag:s17] =	ssyncset.done $0x0  }
0x19: {  	s21 =	simm.s32 $0x1;
	p1 =	por $0x0, $0x0;
	[sflag:s17] =	ssyncadd.s32 $0xFFFFF000  }
.LBB2_2:
0x1a: {  	s22 =	sor.u32 s6, s21  }
0x1b: {  	s21 =	smul.u32 $0x30D4, s22;
	_ =	sdelay $0x1  }
0x1c: {  	s23 =	sadd.s32 s1, s21;
	s21 =	simm.s32 $0x0  }
0x1d: {  	[tilespmem:s21], [sflag:$0x1] =	stream.linear.gather [hbm4b:s23+s21], $0x186A0, $0x38;
	[tilespmem:$0x1C6A0] =	vst v63  }
0x1e: {  	_ = 	snop  }
0x1f: {  	[tilespmem:s11], [sflag:$0x2] =	stream.linear.gather [hbm4b:s4+s21], $0x1000, $0x38;
	[tilespmem:$0x1C6A0] =	vst v63  }
0x20: {  	_ = 	snop  }
0x21: {  	[tilespmem:s12], [sflag:$0x3] =	stream.linear.gather [hbm4b:s7+s21], $0x1000, $0x38;
	[tilespmem:$0x1C6A0] =	vst v63  }
0x22: {  	_ =	swait.ge [sflag:s13], $0x186A0  }
0x23: {  	[sflag:s13] =	ssyncset.done $0x0  }
0x24: {  	p0 =	por p1, p1;
	s22 =	sshll.u32 s22, $0x9;
	[sflag:s13] =	ssyncadd.s32 $0xFFFE7960  }
.LBB2_3:
0x25: {  	_ =	swait.ge [sflag:s14], $0x1000  }
0x26: {  	p1 =	seq.s32 s21, $0x0;
	[sflag:s14] =	ssyncset.done $0x0  }
0x27: {  	s23 =	simm.s32 @!p1 $0x4;
	[sflag:s14] =	ssyncadd.s32 $0xFFFFF000  }
0x28: {  	_ =	swait.ge @!p1 [sflag:s23], $0x1000  }
0x29: {  	[sflag:s23] =	ssyncset.done @!p1 $0x0  }
0x2a: {  	s31 =	simm.s32 $0x18720;
	[sflag:s23] =	ssyncadd.s32 @!p1 $0xFFFFF000  }
0x2b: {  	v0 =	vld [tilespmem:s31+$0x70]  }
0x2c: {  	v1 =	vld [tilespmem:s31+$0xFFFFFF90]  }
0x2d: {  	v2 =	vld [tilespmem:s31+$0xFFFFFFA0]  }
0x2e: {  	v3 =	vld [tilespmem:s31+$0xFFFFFFB0]  }
0x2f: {  	v4 =	vld [tilespmem:s31+$0xFFFFFFC0]  }
0x30: {  	v5 =	vld [tilespmem:s31+$0xFFFFFFD0]  }
0x31: {  	v6 =	vld [tilespmem:s31+$0xFFFFFFE0]  }
0x32: {  	v7 =	vld [tilespmem:s31+$0xFFFFFFF0]  }
0x33: {  	v8 =	vld [tilespmem:s31+$0x0]  }
0x34: {  	v9 =	vld [tilespmem:s31+$0x10]  }
0x35: {  	v10 =	vld [tilespmem:s31+$0x20]  }
0x36: {  	v11 =	vld [tilespmem:s31+$0x30]  }
0x37: {  	v12 =	vld [tilespmem:s31+$0x40]  }
0x38: {  	v13 =	vld [tilespmem:s31+$0x50]  }
0x39: {  	v14 =	vld [tilespmem:s31+$0x60]  }
0x3a: {  	v15 =	vld [tilespmem:s31+$0xFFFFFF80]  }
0x3b: {  	v0 =	vld.idx.msk [tilespmem:v0+s2+$0x0], $0xffff  }
0x3c: {  	v1 =	vld.idx.msk [tilespmem:v1+s2+$0x0], $0xffff  }
0x3d: {  	v2 =	vld.idx.msk [tilespmem:v2+s2+$0x0], $0xffff  }
0x3e: {  	v3 =	vld.idx.msk [tilespmem:v3+s2+$0x0], $0xffff  }
0x3f: {  	v4 =	vld.idx.msk [tilespmem:v4+s2+$0x0], $0xffff  }
0x40: {  	s25 =	simm.s32 $0x1A720;
	v5 =	vld.idx.msk [tilespmem:v5+s2+$0x0], $0xffff  }
0x41: {  	v6 =	vld.idx.msk [tilespmem:v6+s2+$0x0], $0xffff;
	[tilespmem:s25+$0x70] =	vst v0  }
0x42: {  	v7 =	vld.idx.msk [tilespmem:v7+s2+$0x0], $0xffff;
	[tilespmem:s25+$0xFFFFFF90] =	vst v1  }
0x43: {  	v15 =	vld.idx.msk [tilespmem:v15+s2+$0x0], $0xffff;
	[tilespmem:s25+$0xFFFFFFA0] =	vst v2  }
0x44: {  	v8 =	vld.idx.msk [tilespmem:v8+s2+$0x0], $0xffff;
	[tilespmem:s25+$0xFFFFFFB0] =	vst v3  }
0x45: {  	[tilespmem:s25+$0xFFFFFFC0] =	vst v4;
	v0 =	vld.idx.msk [tilespmem:v9+s2+$0x0], $0xffff  }
0x46: {  	[tilespmem:s25+$0xFFFFFFD0] =	vst v5;
	v1 =	vld.idx.msk [tilespmem:v10+s2+$0x0], $0xffff  }
0x47: {  	[tilespmem:s25+$0xFFFFFFE0] =	vst v6;
	v2 =	vld.idx.msk [tilespmem:v11+s2+$0x0], $0xffff  }
0x48: {  	[tilespmem:s25+$0xFFFFFFF0] =	vst v7;
	v3 =	vld.idx.msk [tilespmem:v12+s2+$0x0], $0xffff  }
0x49: {  	[tilespmem:s25+$0xFFFFFF80] =	vst v15;
	v4 =	vld.idx.msk [tilespmem:v13+s2+$0x0], $0xffff  }
0x4a: {  	s24 =	simm.s32 $0x0;
	s26 =	simm.s32 $0x18820;
	s23 =	sshll.u32 s21, $0xA;
	[tilespmem:s25+$0x0] =	vst v8;
	v5 =	vld.idx.msk [tilespmem:v14+s2+$0x0], $0xffff  }
.LBB2_4:
0x4b: {  	v6 =	vld [tilespmem:s26+$0x70];
	s24 =	sadd.s32 $0x100, s24;
	[tilespmem:s25+$0x10] =	vst v0  }
0x4c: {  	v0 =	vld [tilespmem:s26+$0xFFFFFF90];
	p2 =	slt.u32 s24, $0xF00;
	[tilespmem:s25+$0x20] =	vst v1  }
0x4d: {  	v1 =	vld [tilespmem:s26+$0xFFFFFFA0];
	[tilespmem:s25+$0x30] =	vst v2  }
0x4e: {  	v2 =	vld [tilespmem:s26+$0xFFFFFFB0];
	[tilespmem:s25+$0x40] =	vst v3  }
0x4f: {  	v3 =	vld [tilespmem:s26+$0xFFFFFFC0];
	[tilespmem:s25+$0x50] =	vst v4  }
0x50: {  	v4 =	vld [tilespmem:s26+$0xFFFFFFD0];
	[tilespmem:s25+$0x60] =	vst v5  }
0x51: {  	v5 =	vld [tilespmem:s26+$0xFFFFFFE0]  }
0x52: {  	v7 =	vld [tilespmem:s26+$0xFFFFFFF0]  }
0x53: {  	v6 =	vld.idx.msk [tilespmem:v6+s2+$0x0], $0xffff  }
0x54: {  	v8 =	vld [tilespmem:s26+$0x0]  }
0x55: {  	v9 =	vld [tilespmem:s26+$0x10]  }
0x56: {  	v10 =	vld [tilespmem:s26+$0x20]  }
0x57: {  	v11 =	vld [tilespmem:s26+$0x30]  }
0x58: {  	s25 =	sadd.s32 $0x100, s25;
	v12 =	vld [tilespmem:s26+$0x40]  }
0x59: {  	v13 =	vld [tilespmem:s26+$0x50];
	[tilespmem:s25+$0x70] =	vst v6  }
0x5a: {  	v6 =	vld [tilespmem:s26+$0x60]  }
0x5b: {  	v14 =	vld [tilespmem:s26+$0xFFFFFF80]  }
0x5c: {  	v0 =	vld.idx.msk [tilespmem:v0+s2+$0x0], $0xffff  }
0x5d: {  	v1 =	vld.idx.msk [tilespmem:v1+s2+$0x0], $0xffff  }
0x5e: {  	v2 =	vld.idx.msk [tilespmem:v2+s2+$0x0], $0xffff  }
0x5f: {  	v3 =	vld.idx.msk [tilespmem:v3+s2+$0x0], $0xffff  }
0x60: {  	v4 =	vld.idx.msk [tilespmem:v4+s2+$0x0], $0xffff  }
0x61: {  	v5 =	vld.idx.msk [tilespmem:v5+s2+$0x0], $0xffff  }
0x62: {  	[tilespmem:s25+$0xFFFFFF90] =	vst v0;
	v7 =	vld.idx.msk [tilespmem:v7+s2+$0x0], $0xffff  }
0x63: {  	v14 =	vld.idx.msk [tilespmem:v14+s2+$0x0], $0xffff;
	[tilespmem:s25+$0xFFFFFFA0] =	vst v1  }
0x64: {  	[tilespmem:s25+$0xFFFFFFB0] =	vst v2;
	v8 =	vld.idx.msk [tilespmem:v8+s2+$0x0], $0xffff  }
0x65: {  	[tilespmem:s25+$0xFFFFFFC0] =	vst v3;
	v0 =	vld.idx.msk [tilespmem:v9+s2+$0x0], $0xffff  }
.Ltmp4:
0x66: {  	[tilespmem:s25+$0xFFFFFFD0] =	vst v4;
	v1 =	vld.idx.msk [tilespmem:v10+s2+$0x0], $0xffff;
	(pc) =	sbr.rel @p2 .LBB2_4-.Ltmp4, $4  }
0x67: {  	[tilespmem:s25+$0xFFFFFFE0] =	vst v5;
	v2 =	vld.idx.msk [tilespmem:v11+s2+$0x0], $0xffff  }
0x68: {  	[tilespmem:s25+$0xFFFFFFF0] =	vst v7;
	v3 =	vld.idx.msk [tilespmem:v12+s2+$0x0], $0xffff  }
0x69: {  	[tilespmem:s25+$0xFFFFFF80] =	vst v14;
	v4 =	vld.idx.msk [tilespmem:v13+s2+$0x0], $0xffff  }
0x6a: {  	s26 =	sadd.s32 $0x100, s26;
	[tilespmem:s25+$0x0] =	vst v8;
	v5 =	vld.idx.msk [tilespmem:v6+s2+$0x0], $0xffff  }
0x6b: {  	[tilespmem:s25+$0x10] =	vst v0  }
0x6c: {  	[tilespmem:s25+$0x20] =	vst v1;
	p2 =	sne.s32 s21, $0x18  }
.Ltmp5:
0x6d: {  	[tilespmem:s25+$0x30] =	vst v2;
	(pc) =	sbr.rel @p2 .LBB2_7-.Ltmp5, $4  }
0x6e: {  	s24 =	sshll.u32 s21, $0x10;
	[tilespmem:s25+$0x40] =	vst v3  }
0x6f: {  	s24 =	sor.u32 s22, s24;
	[tilespmem:s25+$0x50] =	vst v4  }
0x70: {  	s31 =	sadd.s32 s5, s24;
	[tilespmem:s25+$0x60] =	vst v5  }
0x71: {  	[hbm4b:s31+s2] =	stream.linear.scatter [tilespmem:s15], [sflag:$0x4], $0x1000, $0x38;
	[tilespmem:$0x1C6A0] =	vst v63  }
.Ltmp6:
0x72: {  	(pc) =	sbr.rel .LBB2_8-.Ltmp6, $4  }
0x73: {  	_ = 	snop  }
0x74: {  	_ =	swait.ge [sflag:s16], $0x1000  }
0x75: {  	[sflag:s16] =	ssyncset.done $0x0  }
0x76: {  	[sflag:s16] =	ssyncadd.s32 $0xFFFFF000  }
.LBB2_7:
.Ltmp7:
0x77: {  	s25 =	sadd.s32 s23, s8;
	(pc) =	sbr.rel @p1 .LBB2_9-.Ltmp7, $4  }
0x78: {  	[tilespmem:s11], [sflag:$0x2] =	stream.linear.gather [hbm4b:s25+s2], $0x1000, $0x38;
	[tilespmem:$0x1C6A0] =	vst v63  }
0x79: {  	_ =	swait.ge [sflag:s16], $0x1000  }
0x7a: {  	[sflag:s16] =	ssyncset.done $0x0  }
0x7b: {  	[sflag:s16] =	ssyncadd.s32 $0xFFFFF000  }
.LBB2_8:
0x7c: {  	_ =	swait.ge [sflag:s17], $0x1000  }
0x7d: {  	[sflag:s17] =	ssyncset.done $0x0  }
0x7e: {  	[sflag:s17] =	ssyncadd.s32 $0xFFFFF000  }
.LBB2_9:
0x7f: {  	s25 =	simm.s32 $0x19720  }
0x80: {  	v0 =	vld [tilespmem:s25+$0x70]  }
0x81: {  	v1 =	vld [tilespmem:s25+$0xFFFFFF90]  }
0x82: {  	v2 =	vld [tilespmem:s25+$0xFFFFFFA0]  }
0x83: {  	v3 =	vld [tilespmem:s25+$0xFFFFFFB0]  }
0x84: {  	v4 =	vld [tilespmem:s25+$0xFFFFFFC0]  }
0x85: {  	v5 =	vld [tilespmem:s25+$0xFFFFFFD0]  }
0x86: {  	v6 =	vld [tilespmem:s25+$0xFFFFFFE0]  }
0x87: {  	v7 =	vld [tilespmem:s25+$0xFFFFFFF0]  }
0x88: {  	v8 =	vld [tilespmem:s25+$0x0]  }
0x89: {  	v9 =	vld [tilespmem:s25+$0x10]  }
0x8a: {  	v10 =	vld [tilespmem:s25+$0x20]  }
0x8b: {  	v11 =	vld [tilespmem:s25+$0x30]  }
0x8c: {  	v12 =	vld [tilespmem:s25+$0x40]  }
0x8d: {  	v13 =	vld [tilespmem:s25+$0x50]  }
0x8e: {  	v14 =	vld [tilespmem:s25+$0x60]  }
0x8f: {  	v15 =	vld [tilespmem:s25+$0xFFFFFF80]  }
0x90: {  	v0 =	vld.idx.msk [tilespmem:v0+s2+$0x0], $0xffff  }
0x91: {  	v1 =	vld.idx.msk [tilespmem:v1+s2+$0x0], $0xffff  }
0x92: {  	v2 =	vld.idx.msk [tilespmem:v2+s2+$0x0], $0xffff  }
0x93: {  	v3 =	vld.idx.msk [tilespmem:v3+s2+$0x0], $0xffff  }
0x94: {  	v4 =	vld.idx.msk [tilespmem:v4+s2+$0x0], $0xffff  }
0x95: {  	s25 =	simm.s32 $0x1B720;
	v5 =	vld.idx.msk [tilespmem:v5+s2+$0x0], $0xffff  }
0x96: {  	v6 =	vld.idx.msk [tilespmem:v6+s2+$0x0], $0xffff;
	[tilespmem:s25+$0x70] =	vst v0  }
0x97: {  	v7 =	vld.idx.msk [tilespmem:v7+s2+$0x0], $0xffff;
	[tilespmem:s25+$0xFFFFFF90] =	vst v1  }
0x98: {  	v15 =	vld.idx.msk [tilespmem:v15+s2+$0x0], $0xffff;
	[tilespmem:s25+$0xFFFFFFA0] =	vst v2  }
0x99: {  	v8 =	vld.idx.msk [tilespmem:v8+s2+$0x0], $0xffff;
	[tilespmem:s25+$0xFFFFFFB0] =	vst v3  }
0x9a: {  	[tilespmem:s25+$0xFFFFFFC0] =	vst v4;
	v0 =	vld.idx.msk [tilespmem:v9+s2+$0x0], $0xffff  }
0x9b: {  	[tilespmem:s25+$0xFFFFFFD0] =	vst v5;
	v1 =	vld.idx.msk [tilespmem:v10+s2+$0x0], $0xffff  }
0x9c: {  	[tilespmem:s25+$0xFFFFFFE0] =	vst v6;
	v2 =	vld.idx.msk [tilespmem:v11+s2+$0x0], $0xffff  }
0x9d: {  	[tilespmem:s25+$0xFFFFFFF0] =	vst v7;
	v3 =	vld.idx.msk [tilespmem:v12+s2+$0x0], $0xffff  }
0x9e: {  	[tilespmem:s25+$0xFFFFFF80] =	vst v15;
	v4 =	vld.idx.msk [tilespmem:v13+s2+$0x0], $0xffff  }
0x9f: {  	s26 =	simm.s32 $0x0;
	s28 =	simm.s32 $0x19820;
	[tilespmem:s25+$0x0] =	vst v8;
	v5 =	vld.idx.msk [tilespmem:v14+s2+$0x0], $0xffff  }
.LBB2_10:
0xa0: {  	v6 =	vld [tilespmem:s28+$0x70];
	s26 =	sadd.s32 $0x100, s26;
	[tilespmem:s25+$0x10] =	vst v0  }
0xa1: {  	v0 =	vld [tilespmem:s28+$0xFFFFFF90];
	p1 =	slt.u32 s26, $0xF00;
	[tilespmem:s25+$0x20] =	vst v1  }
0xa2: {  	v1 =	vld [tilespmem:s28+$0xFFFFFFA0];
	[tilespmem:s25+$0x30] =	vst v2  }
0xa3: {  	v2 =	vld [tilespmem:s28+$0xFFFFFFB0];
	[tilespmem:s25+$0x40] =	vst v3  }
0xa4: {  	v3 =	vld [tilespmem:s28+$0xFFFFFFC0];
	[tilespmem:s25+$0x50] =	vst v4  }
0xa5: {  	v4 =	vld [tilespmem:s28+$0xFFFFFFD0];
	[tilespmem:s25+$0x60] =	vst v5  }
0xa6: {  	v5 =	vld [tilespmem:s28+$0xFFFFFFE0]  }
0xa7: {  	v7 =	vld [tilespmem:s28+$0xFFFFFFF0]  }
0xa8: {  	v6 =	vld.idx.msk [tilespmem:v6+s2+$0x0], $0xffff  }
0xa9: {  	v8 =	vld [tilespmem:s28+$0x0]  }
0xaa: {  	v9 =	vld [tilespmem:s28+$0x10]  }
0xab: {  	v10 =	vld [tilespmem:s28+$0x20]  }
0xac: {  	v11 =	vld [tilespmem:s28+$0x30]  }
0xad: {  	s25 =	sadd.s32 $0x100, s25;
	v12 =	vld [tilespmem:s28+$0x40]  }
0xae: {  	v13 =	vld [tilespmem:s28+$0x50];
	[tilespmem:s25+$0x70] =	vst v6  }
0xaf: {  	v6 =	vld [tilespmem:s28+$0x60]  }
0xb0: {  	v14 =	vld [tilespmem:s28+$0xFFFFFF80]  }
0xb1: {  	v0 =	vld.idx.msk [tilespmem:v0+s2+$0x0], $0xffff  }
0xb2: {  	v1 =	vld.idx.msk [tilespmem:v1+s2+$0x0], $0xffff  }
0xb3: {  	v2 =	vld.idx.msk [tilespmem:v2+s2+$0x0], $0xffff  }
0xb4: {  	v3 =	vld.idx.msk [tilespmem:v3+s2+$0x0], $0xffff  }
0xb5: {  	v4 =	vld.idx.msk [tilespmem:v4+s2+$0x0], $0xffff  }
0xb6: {  	v5 =	vld.idx.msk [tilespmem:v5+s2+$0x0], $0xffff  }
0xb7: {  	[tilespmem:s25+$0xFFFFFF90] =	vst v0;
	v7 =	vld.idx.msk [tilespmem:v7+s2+$0x0], $0xffff  }
0xb8: {  	v14 =	vld.idx.msk [tilespmem:v14+s2+$0x0], $0xffff;
	[tilespmem:s25+$0xFFFFFFA0] =	vst v1  }
0xb9: {  	[tilespmem:s25+$0xFFFFFFB0] =	vst v2;
	v8 =	vld.idx.msk [tilespmem:v8+s2+$0x0], $0xffff  }
0xba: {  	[tilespmem:s25+$0xFFFFFFC0] =	vst v3;
	v0 =	vld.idx.msk [tilespmem:v9+s2+$0x0], $0xffff  }
.Ltmp8:
0xbb: {  	[tilespmem:s25+$0xFFFFFFD0] =	vst v4;
	v1 =	vld.idx.msk [tilespmem:v10+s2+$0x0], $0xffff;
	(pc) =	sbr.rel @p1 .LBB2_10-.Ltmp8, $4  }
0xbc: {  	[tilespmem:s25+$0xFFFFFFE0] =	vst v5;
	v2 =	vld.idx.msk [tilespmem:v11+s2+$0x0], $0xffff  }
0xbd: {  	[tilespmem:s25+$0xFFFFFFF0] =	vst v7;
	v3 =	vld.idx.msk [tilespmem:v12+s2+$0x0], $0xffff  }
0xbe: {  	[tilespmem:s25+$0xFFFFFF80] =	vst v14;
	v4 =	vld.idx.msk [tilespmem:v13+s2+$0x0], $0xffff  }
0xbf: {  	s28 =	sadd.s32 $0x100, s28;
	[tilespmem:s25+$0x0] =	vst v8;
	v5 =	vld.idx.msk [tilespmem:v6+s2+$0x0], $0xffff  }
0xc0: {  	[tilespmem:s25+$0x10] =	vst v0  }
0xc1: {  	[tilespmem:s25+$0x20] =	vst v1;
	p1 =	seq.s32 s21, $0x18  }
.Ltmp9:
0xc2: {  	[tilespmem:s25+$0x30] =	vst v2;
	(pc) =	sbr.rel @p1 .LBB2_13-.Ltmp9, $4  }
0xc3: {  	[tilespmem:s25+$0x40] =	vst v3  }
0xc4: {  	s24 =	sor.u32 $0x8000, s24;
	[tilespmem:s25+$0x50] =	vst v4  }
0xc5: {  	s24 =	sadd.s32 s5, s24;
	[tilespmem:s25+$0x60] =	vst v5  }
0xc6: {  	[hbm4b:s24+s2] =	stream.linear.scatter [tilespmem:s18], [sflag:$0x5], $0x1000, $0x38;
	[tilespmem:$0x1C6A0] =	vst v63  }
.Ltmp10:
0xc7: {  	(pc) =	sbr.rel .LBB2_3-.Ltmp10, $3  }
0xc8: {  	_ =	sdelay $0x1  }
0xc9: {  	s23 =	sadd.s32 s23, s9;
	s21 =	sadd.s32 $0x1, s21  }
0xca: {  	[tilespmem:s12], [sflag:$0x3] =	stream.linear.gather [hbm4b:s23+s2], $0x1000, $0x38;
	[tilespmem:$0x1C6A0] =	vst v63  }
.LBB2_15:
0xcb: {  	_ =	sfence.sel $0x180000  }
0xcc: {  	[bflag:$0x0] =	sbarrier.arrive $0xFFFF  }
0xcd: {  	p0 =	sne.s32 s3, $0x0;
	_ =	strace $0x90000047  }
0xce: {  	s0 =	sadd.s32 @!p0 $0x100000, s0;
	[bflag:$0x2] =	sbarrier.arrive $0xFFFF  }
0xcf: {  	[sflag:s0] =	ssyncadd.tile.s32 @!p0 $0x1;
	_ =	shalt  }
.Lfunc_end2:
_tile_overlayer_lowered:
.L_overlay_start_2:
0xd0: {  	(tag) =	ssettag $0x2  }
0xd1: {  	s0 =	rddreg [dreg:$0x0];
	s2 =	stileid.u32  }
0xd2: {  	s1 =	rddreg [dreg:$0x1];
	p0 =	sne.s32 s2, $0x0  }
0xd3: {  	s3 =	rddreg [dreg:$0x2];
	[bflag:$0x3] =	sbarrier.arrive $0xFFFF;
	s2 =	simm.s32 @!p0 $0x1C06  }
0xd4: {  	[timem:s3], [sflag:s2] =	dma.local @!p0 [hbm:s0], s1  }
0xd5: {  	s0 =	simm.s32 @!p0 $0x6  }
0xd6: {  	_ =	swait.ge @!p0 [sflag:s0], s1  }
0xd7: {  	s1 =	ssub.s32 @!p0 $0x0, s1;
	[sflag:s0] =	ssyncset.done @!p0 $0x0  }
0xd8: {  	[sflag:s0] =	ssyncadd.s32 @!p0 s1  }
0xd9: {  	[bflag:$0x3] =	sbarrier.arrive $0xFFFF  }
0xda: {  	_ =	shalt  }

</sc_bundles>
